<compile_context>
chip_gen: v7x
topology: tpu7x:2x2x1
jax: 0.10.2.dev20260603
libtpu: 0.0.44.dev20260713+nightly
codegen_flags: <defaults>
</compile_context>

<pallas_src>
import jax
import jax.numpy as jnp
from jax import lax
from jax.experimental import pallas as pl
from jax.experimental.pallas import tpu as pltpu
from jax.experimental.pallas import tpu_sc as plsc

_MAX_H = 64
_MAX_W = 64
_S = _MAX_H * _MAX_W
_B = 4096
_NC, _NS, _L = 2, 16, 16
_NW = _NC * _NS
_RPT = _B // _NW
_CHUNK = 4
_NCH = _RPT // _CHUNK
_NBUF = 3
_GROUPS = _S // _L


def _sc_body(x_hbm, off_hbm, pe_hbm, out_hbm,
             pe_raw, pe_s, off_v, buf_in, buf_out, sem_in, sem_out):
    wid = lax.axis_index("s") * _NC + lax.axis_index("c")
    base = wid * _RPT

    def in_cp(c, b):
        return pltpu.make_async_copy(
            x_hbm.at[pl.ds(base + c * _CHUNK, _CHUNK)], buf_in.at[b],
            sem_in.at[b])

    def out_cp(c, b):
        return pltpu.make_async_copy(
            buf_out.at[b], out_hbm.at[pl.ds(base + c * _CHUNK, _CHUNK)],
            sem_out.at[b])

    for b in range(_NBUF):
        in_cp(b, b).start()

    pltpu.sync_copy(pe_hbm, pe_raw)
    pltpu.sync_copy(off_hbm, off_v)
    lanes = lax.iota(jnp.int32, _L)
    off = off_v[...]

    def gather_body(g, carry):
        s = pl.ds(g * _L, _L)
        iv = jnp.clip(lanes + (g * _L + off), 0, _S - 1)
        pe_s[s] = plsc.load_gather(pe_raw, [iv]) * jnp.float32(0.1)
        return carry

    lax.fori_loop(0, _GROUPS, gather_body, 0)

    def chunk_body(c, carry):
        b = lax.rem(c, _NBUF)
        in_cp(c, b).wait()

        @pl.when(c >= _NBUF)
        def _():
            out_cp(c - _NBUF, b).wait()

        @plsc.parallel_loop(0, _GROUPS, unroll=2)
        def add_body(g):
            s = pl.ds(g * _L, _L)
            pe_vec = pe_s[s]
            for r in range(_CHUNK):
                buf_out[b, r, s] = buf_in[b, r, s] + pe_vec
        out_cp(c, b).start()

        @pl.when(c + _NBUF < _NCH)
        def _():
            in_cp(c + _NBUF, b).start()

        return carry

    lax.fori_loop(0, _NCH, chunk_body, 0)

    def drain_body(c, carry):
        out_cp(c, lax.rem(c, _NBUF)).wait()
        return carry

    lax.fori_loop(_NCH - _NBUF, _NCH, drain_body, 0)


def kernel(x_flat, height, width, pos_embed):
    offset = (jnp.asarray(height, jnp.int32) - _MAX_H) + (
        jnp.asarray(width, jnp.int32) - _MAX_W
    )
    off_vec = jnp.full((_L,), offset, dtype=jnp.int32)
    run = pl.kernel(
        _sc_body,
        out_type=jax.ShapeDtypeStruct((_B, _S), jnp.float32),
        mesh=plsc.VectorSubcoreMesh(core_axis_name="c", subcore_axis_name="s"),
        compiler_params=pltpu.CompilerParams(needs_layout_passes=False),
        scratch_types=[
            pltpu.VMEM((_S,), jnp.float32),
            pltpu.VMEM((_S,), jnp.float32),
            pltpu.VMEM((_L,), jnp.int32),
            pltpu.VMEM((_NBUF, _CHUNK, _S), jnp.float32),
            pltpu.VMEM((_NBUF, _CHUNK, _S), jnp.float32),
            pltpu.SemaphoreType.DMA((_NBUF,)),
            pltpu.SemaphoreType.DMA((_NBUF,)),
        ],
    )
    return run(x_flat, off_vec, pos_embed)

# --- scband reference (transcript-rebuilt; emitter-appended) ---
"""Pipeline reference for scband-positional-encoding-channel-wise-58806692217152 (READ-ONLY COPY).

The authoritative reference and input builder live on the scoring server;
editing this copy changes nothing except your own understanding.
"""

import jax, jax.numpy as jnp
import numpy as np

MAX_H = 64
MAX_W = 64


def _make_pos_embed():
    max_spatial_dim = MAX_H * MAX_W
    idx = np.arange(max_spatial_dim, dtype=np.float64)
    pe = np.sin(idx / (10000.0 ** (idx / max_spatial_dim)))
    return jnp.asarray(pe, dtype=jnp.float32)


def setup_inputs(seed: int = 0) -> dict:
    key = jax.random.key(seed)
    x_flat = jax.random.normal(key, (4096, 4096), dtype=jnp.float32)
    pos_embed = _make_pos_embed()  # registered buffer of the torch module
    return {"x_flat": x_flat, "height": 64, "width": 64, "pos_embed": pos_embed}


def reference(x_flat, height, width, pos_embed):
    # height <= MAX_H and width <= MAX_W branch of the torch module
    # pe_indices[h*width + w] = h * max_width + w
    pe_indices = jnp.asarray(
        (np.arange(MAX_H)[:, None] * MAX_W + np.arange(MAX_W)[None, :]).reshape(-1),
        dtype=jnp.int32,
    )
    offset = (jnp.asarray(height, dtype=jnp.int32) - MAX_H) + (
        jnp.asarray(width, dtype=jnp.int32) - MAX_W
    )
    pe = jnp.take(pos_embed, pe_indices + offset, axis=0)  # gather [H*W]
    pe = jnp.broadcast_to(pe[None, :], x_flat.shape)       # expand over batch
    return x_flat + pe * 0.1

if __name__ == "__main__":
    import jax
    _d = setup_inputs()
    print(jax.jit(kernel)(*tuple(_d.values())))

</pallas_src>

<mosaic_0001>
#map = affine_map<(d0, d1) -> (0, 0)>
#map1 = affine_map<(d0, d1) -> (0)>
module attributes {stable_mosaic.version = 14 : i64} {
  func.func @_sc_body(%arg0: i32, %arg1: i32, %arg2: memref<4096x4096xf32, #tpu.memory_space<hbm>>, %arg3: memref<16xi32, #tpu.memory_space<hbm>>, %arg4: memref<4096xf32, #tpu.memory_space<hbm>>, %arg5: memref<4096x4096xf32, #tpu.memory_space<hbm>>, %arg6: memref<4096xf32, #tpu.memory_space<vmem>>, %arg7: memref<4096xf32, #tpu.memory_space<vmem>>, %arg8: memref<16xi32, #tpu.memory_space<vmem>>, %arg9: memref<3x4x4096xf32, #tpu.memory_space<vmem>>, %arg10: memref<3x4x4096xf32, #tpu.memory_space<vmem>>, %arg11: memref<3x!tpu.dma_semaphore, #tpu.memory_space<semaphore_mem>>, %arg12: memref<3x!tpu.dma_semaphore, #tpu.memory_space<semaphore_mem>>) attributes {dimension_semantics = [#tpu.dimension_semantics<core_parallel>, #tpu.dimension_semantics<subcore_parallel>], iteration_bounds = array<i64: 2, 16>, scalar_prefetch = 0 : i64, scratch_operands = 7 : i64, tpu.core_type = #tpu.core_type<sc_vector_subcore>, window_params = [{transform_indices = #map}, {transform_indices = #map1}, {transform_indices = #map1}, {transform_indices = #map}]} {
    %mul3A = arith.constant 2 : i32
    %mul3A_0 = arith.muli %arg1, %mul3A : i32
    %add3A = arith.addi %mul3A_0, %arg0 : i32
    %mul3A_1 = arith.constant 128 : i32
    %mul3A_2 = arith.muli %add3A, %mul3A_1 : i32
    %add3A_3 = arith.constant 0 : i32
    %add3A_4 = arith.addi %mul3A_2, %add3A_3 : i32
    %dma_start3A = arith.constant 0 : i32
    %dma_start3A_5 = arith.constant 0 : i32
    %dma_start3A_6 = arith.constant 0 : i32
    %dma_start3A_7 = arith.constant 0 : i32
    %dma_start3A_8 = tpu.memref_slice %arg9[%dma_start3A, %dma_start3A_6, %dma_start3A_7] : memref<3x4x4096xf32, #tpu.memory_space<vmem>> -> memref<1x4x4096xf32, #tpu.memory_space<vmem>>
    %dma_start3A_9 = tpu.memref_squeeze %dma_start3A_8 : memref<1x4x4096xf32, #tpu.memory_space<vmem>> -> memref<4x4096xf32, #tpu.memory_space<vmem>>
    %dma_start3A_10 = arith.constant 0 : i32
    %dma_start3A_11 = tpu.memref_slice %arg2[%add3A_4, %dma_start3A_10] : memref<4096x4096xf32, #tpu.memory_space<hbm>> -> memref<4x4096xf32, #tpu.memory_space<hbm>>
    %dma_start3A_12 = tpu.memref_slice %arg11[%dma_start3A_5] : memref<3x!tpu.dma_semaphore, #tpu.memory_space<semaphore_mem>> -> memref<1x!tpu.dma_semaphore, #tpu.memory_space<semaphore_mem>>
    %dma_start3A_13 = tpu.memref_squeeze %dma_start3A_12 : memref<1x!tpu.dma_semaphore, #tpu.memory_space<semaphore_mem>> -> memref<!tpu.dma_semaphore, #tpu.memory_space<semaphore_mem>>
    %dma_start3A_14 = arith.constant 0 : i32
    %dma_start3A_15 = arith.constant 0 : i32
    %dma_start3A_16 = tpu.memref_slice %arg9[%dma_start3A, %dma_start3A_14, %dma_start3A_15] : memref<3x4x4096xf32, #tpu.memory_space<vmem>> -> memref<1x4x4096xf32, #tpu.memory_space<vmem>>
    %dma_start3A_17 = tpu.memref_squeeze %dma_start3A_16 : memref<1x4x4096xf32, #tpu.memory_space<vmem>> -> memref<4x4096xf32, #tpu.memory_space<vmem>>
    %dma_start3A_18 = arith.constant 0 : i32
    %dma_start3A_19 = tpu.memref_slice %arg2[%add3A_4, %dma_start3A_18] : memref<4096x4096xf32, #tpu.memory_space<hbm>> -> memref<4x4096xf32, #tpu.memory_space<hbm>>
    tpu.enqueue_dma source(%dma_start3A_19 : memref<4x4096xf32, #tpu.memory_space<hbm>>) target(%dma_start3A_17 : memref<4x4096xf32, #tpu.memory_space<vmem>>) target_semaphore(%dma_start3A_13 : memref<!tpu.dma_semaphore, #tpu.memory_space<semaphore_mem>>)
    %add3A_20 = arith.constant 4 : i32
    %add3A_21 = arith.addi %mul3A_2, %add3A_20 : i32
    %dma_start3A_22 = arith.constant 1 : i32
    %dma_start3A_23 = arith.constant 1 : i32
    %dma_start3A_24 = arith.constant 0 : i32
    %dma_start3A_25 = arith.constant 0 : i32
    %dma_start3A_26 = tpu.memref_slice %arg9[%dma_start3A_22, %dma_start3A_24, %dma_start3A_25] : memref<3x4x4096xf32, #tpu.memory_space<vmem>> -> memref<1x4x4096xf32, #tpu.memory_space<vmem>>
    %dma_start3A_27 = tpu.memref_squeeze %dma_start3A_26 : memref<1x4x4096xf32, #tpu.memory_space<vmem>> -> memref<4x4096xf32, #tpu.memory_space<vmem>>
    %dma_start3A_28 = arith.constant 0 : i32
    %dma_start3A_29 = tpu.memref_slice %arg2[%add3A_21, %dma_start3A_28] : memref<4096x4096xf32, #tpu.memory_space<hbm>> -> memref<4x4096xf32, #tpu.memory_space<hbm>>
    %dma_start3A_30 = tpu.memref_slice %arg11[%dma_start3A_23] : memref<3x!tpu.dma_semaphore, #tpu.memory_space<semaphore_mem>> -> memref<1x!tpu.dma_semaphore, #tpu.memory_space<semaphore_mem>>
    %dma_start3A_31 = tpu.memref_squeeze %dma_start3A_30 : memref<1x!tpu.dma_semaphore, #tpu.memory_space<semaphore_mem>> -> memref<!tpu.dma_semaphore, #tpu.memory_space<semaphore_mem>>
    %dma_start3A_32 = arith.constant 0 : i32
    %dma_start3A_33 = arith.constant 0 : i32
    %dma_start3A_34 = tpu.memref_slice %arg9[%dma_start3A_22, %dma_start3A_32, %dma_start3A_33] : memref<3x4x4096xf32, #tpu.memory_space<vmem>> -> memref<1x4x4096xf32, #tpu.memory_space<vmem>>
    %dma_start3A_35 = tpu.memref_squeeze %dma_start3A_34 : memref<1x4x4096xf32, #tpu.memory_space<vmem>> -> memref<4x4096xf32, #tpu.memory_space<vmem>>
    %dma_start3A_36 = arith.constant 0 : i32
    %dma_start3A_37 = tpu.memref_slice %arg2[%add3A_21, %dma_start3A_36] : memref<4096x4096xf32, #tpu.memory_space<hbm>> -> memref<4x4096xf32, #tpu.memory_space<hbm>>
    tpu.enqueue_dma source(%dma_start3A_37 : memref<4x4096xf32, #tpu.memory_space<hbm>>) target(%dma_start3A_35 : memref<4x4096xf32, #tpu.memory_space<vmem>>) target_semaphore(%dma_start3A_31 : memref<!tpu.dma_semaphore, #tpu.memory_space<semaphore_mem>>)
    %add3A_38 = arith.constant 8 : i32
    %add3A_39 = arith.addi %mul3A_2, %add3A_38 : i32
    %dma_start3A_40 = arith.constant 2 : i32
    %dma_start3A_41 = arith.constant 2 : i32
    %dma_start3A_42 = arith.constant 0 : i32
    %dma_start3A_43 = arith.constant 0 : i32
    %dma_start3A_44 = tpu.memref_slice %arg9[%dma_start3A_40, %dma_start3A_42, %dma_start3A_43] : memref<3x4x4096xf32, #tpu.memory_space<vmem>> -> memref<1x4x4096xf32, #tpu.memory_space<vmem>>
    %dma_start3A_45 = tpu.memref_squeeze %dma_start3A_44 : memref<1x4x4096xf32, #tpu.memory_space<vmem>> -> memref<4x4096xf32, #tpu.memory_space<vmem>>
    %dma_start3A_46 = arith.constant 0 : i32
    %dma_start3A_47 = tpu.memref_slice %arg2[%add3A_39, %dma_start3A_46] : memref<4096x4096xf32, #tpu.memory_space<hbm>> -> memref<4x4096xf32, #tpu.memory_space<hbm>>
    %dma_start3A_48 = tpu.memref_slice %arg11[%dma_start3A_41] : memref<3x!tpu.dma_semaphore, #tpu.memory_space<semaphore_mem>> -> memref<1x!tpu.dma_semaphore, #tpu.memory_space<semaphore_mem>>
    %dma_start3A_49 = tpu.memref_squeeze %dma_start3A_48 : memref<1x!tpu.dma_semaphore, #tpu.memory_space<semaphore_mem>> -> memref<!tpu.dma_semaphore, #tpu.memory_space<semaphore_mem>>
    %dma_start3A_50 = arith.constant 0 : i32
    %dma_start3A_51 = arith.constant 0 : i32
    %dma_start3A_52 = tpu.memref_slice %arg9[%dma_start3A_40, %dma_start3A_50, %dma_start3A_51] : memref<3x4x4096xf32, #tpu.memory_space<vmem>> -> memref<1x4x4096xf32, #tpu.memory_space<vmem>>
    %dma_start3A_53 = tpu.memref_squeeze %dma_start3A_52 : memref<1x4x4096xf32, #tpu.memory_space<vmem>> -> memref<4x4096xf32, #tpu.memory_space<vmem>>
    %dma_start3A_54 = arith.constant 0 : i32
    %dma_start3A_55 = tpu.memref_slice %arg2[%add3A_39, %dma_start3A_54] : memref<4096x4096xf32, #tpu.memory_space<hbm>> -> memref<4x4096xf32, #tpu.memory_space<hbm>>
    tpu.enqueue_dma source(%dma_start3A_55 : memref<4x4096xf32, #tpu.memory_space<hbm>>) target(%dma_start3A_53 : memref<4x4096xf32, #tpu.memory_space<vmem>>) target_semaphore(%dma_start3A_49 : memref<!tpu.dma_semaphore, #tpu.memory_space<semaphore_mem>>)
    "tpu.region"() ({
      %run_scoped3A = tpu.sem_alloc : memref<!tpu.dma_semaphore, #tpu.memory_space<semaphore_mem>>
      tpu.enqueue_dma source(%arg4 : memref<4096xf32, #tpu.memory_space<hbm>>) target(%arg6 : memref<4096xf32, #tpu.memory_space<vmem>>) target_semaphore(%run_scoped3A : memref<!tpu.dma_semaphore, #tpu.memory_space<semaphore_mem>>)
      tpu.wait_dma2 semaphore(%run_scoped3A : memref<!tpu.dma_semaphore, #tpu.memory_space<semaphore_mem>>) src(%arg4 : memref<4096xf32, #tpu.memory_space<hbm>>) dst(%arg6 : memref<4096xf32, #tpu.memory_space<vmem>>)
      tpu.yield
    }) : () -> ()
    "tpu.region"() ({
      %run_scoped3A = tpu.sem_alloc : memref<!tpu.dma_semaphore, #tpu.memory_space<semaphore_mem>>
      tpu.enqueue_dma source(%arg3 : memref<16xi32, #tpu.memory_space<hbm>>) target(%arg8 : memref<16xi32, #tpu.memory_space<vmem>>) target_semaphore(%run_scoped3A : memref<!tpu.dma_semaphore, #tpu.memory_space<semaphore_mem>>)
      tpu.wait_dma2 semaphore(%run_scoped3A : memref<!tpu.dma_semaphore, #tpu.memory_space<semaphore_mem>>) src(%arg3 : memref<16xi32, #tpu.memory_space<hbm>>) dst(%arg8 : memref<16xi32, #tpu.memory_space<vmem>>)
      tpu.yield
    }) : () -> ()
    %iota3A = tpu.iota {dimensions = array<i32: 0>} : vector<16xi32>
    %get3A = arith.constant 0 : index
    %get3A_56 = tpu.vector_load %arg8[%get3A] {strides = array<i32>} : memref<16xi32, #tpu.memory_space<vmem>>, vector<16xi32>,
    %scan3A = arith.constant 0 : i32
    %scan3A_57 = arith.constant 0 : i32
    %scan3A_58 = arith.constant 256 : i32
    %scan3A_59 = arith.addi %scan3A_57, %scan3A_58 : i32
    %scan3A_60 = arith.constant 1 : i32
    scf.for %scan3A_74 = %scan3A_57 to %scan3A_59 step %scan3A_60  : i32 {
      %mul3A_75 = arith.constant 16 : i32
      %mul3A_76 = arith.muli %scan3A_74, %mul3A_75 : i32
      %mul3A_77 = arith.constant 16 : i32
      %mul3A_78 = arith.muli %scan3A_74, %mul3A_77 : i32
      %add3A_79 = vector.broadcast %mul3A_78 : i32 to vector<16xi32>
      %add3A_80 = arith.addi %add3A_79, %get3A_56 : vector<16xi32>
      %add3A_81 = arith.addi %iota3A, %add3A_80 : vector<16xi32>
      %jit3A = arith.constant 0 : i32
      %jit3A_82 = arith.constant 4095 : i32
      %max3A = vector.broadcast %jit3A : i32 to vector<16xi32>
      %max3A_83 = arith.maxsi %max3A, %add3A_81 : vector<16xi32>
      %min3A = vector.broadcast %jit3A_82 : i32 to vector<16xi32>
      %min3A_84 = arith.minsi %min3A, %max3A_83 : vector<16xi32>
      %gather3A = tpu.vector_load_idx %arg6[%min3A_84] : memref<4096xf32, #tpu.memory_space<vmem>>[vector<16xi32>], vector<16xf32>,
      %mul3A_85 = arith.constant 1.000000e-01 : f32
      %mul3A_86 = vector.broadcast %mul3A_85 : f32 to vector<16xf32>
      %mul3A_87 = arith.mulf %gather3A, %mul3A_86 : vector<16xf32>
      %swap3A = arith.index_cast %mul3A_76 : i32 to index
      %swap3A_88 = tpu.vector_load %arg7[%swap3A] {strides = array<i32>} : memref<4096xf32, #tpu.memory_space<vmem>>, vector<16xf32>,
      tpu.vector_store %arg7[%swap3A], %mul3A_87 {strides = array<i32>} : memref<4096xf32, #tpu.memory_space<vmem>>, vector<16xf32>,
    }
    %scan3A_61 = arith.constant 256 : i32
    %scan3A_62 = arith.constant 0 : i32
    %scan3A_63 = arith.constant 0 : i32
    %scan3A_64 = arith.constant 32 : i32
    %scan3A_65 = arith.addi %scan3A_63, %scan3A_64 : i32
    %scan3A_66 = arith.constant 1 : i32
    scf.for %scan3A_74 = %scan3A_63 to %scan3A_65 step %scan3A_66  : i32 {
      %rem3A = arith.constant 3 : i32
      %rem3A_75 = arith.remsi %scan3A_74, %rem3A : i32
      %mul3A_76 = arith.constant 4 : i32
      %mul3A_77 = arith.muli %scan3A_74, %mul3A_76 : i32
      %add3A_78 = arith.addi %mul3A_2, %mul3A_77 : i32
      %dma_wait3A = arith.constant 0 : i32
      %dma_wait3A_79 = arith.constant 0 : i32
      %dma_wait3A_80 = tpu.memref_slice %arg9[%rem3A_75, %dma_wait3A, %dma_wait3A_79] : memref<3x4x4096xf32, #tpu.memory_space<vmem>> -> memref<1x4x4096xf32, #tpu.memory_space<vmem>>
      %dma_wait3A_81 = tpu.memref_squeeze %dma_wait3A_80 : memref<1x4x4096xf32, #tpu.memory_space<vmem>> -> memref<4x4096xf32, #tpu.memory_space<vmem>>
      %dma_wait3A_82 = arith.constant 0 : i32
      %dma_wait3A_83 = tpu.memref_slice %arg2[%add3A_78, %dma_wait3A_82] : memref<4096x4096xf32, #tpu.memory_space<hbm>> -> memref<4x4096xf32, #tpu.memory_space<hbm>>
      %dma_wait3A_84 = tpu.memref_slice %arg11[%rem3A_75] : memref<3x!tpu.dma_semaphore, #tpu.memory_space<semaphore_mem>> -> memref<1x!tpu.dma_semaphore, #tpu.memory_space<semaphore_mem>>
      %dma_wait3A_85 = tpu.memref_squeeze %dma_wait3A_84 : memref<1x!tpu.dma_semaphore, #tpu.memory_space<semaphore_mem>> -> memref<!tpu.dma_semaphore, #tpu.memory_space<semaphore_mem>>
      %dma_wait3A_86 = arith.constant 0 : i32
      %dma_wait3A_87 = arith.constant 0 : i32
      %dma_wait3A_88 = tpu.memref_slice %arg9[%rem3A_75, %dma_wait3A_86, %dma_wait3A_87] : memref<3x4x4096xf32, #tpu.memory_space<vmem>> -> memref<1x4x4096xf32, #tpu.memory_space<vmem>>
      %dma_wait3A_89 = tpu.memref_squeeze %dma_wait3A_88 : memref<1x4x4096xf32, #tpu.memory_space<vmem>> -> memref<4x4096xf32, #tpu.memory_space<vmem>>
      %dma_wait3A_90 = arith.constant 0 : i32
      %dma_wait3A_91 = tpu.memref_slice %arg2[%add3A_78, %dma_wait3A_90] : memref<4096x4096xf32, #tpu.memory_space<hbm>> -> memref<4x4096xf32, #tpu.memory_space<hbm>>
      tpu.wait_dma2 semaphore(%dma_wait3A_85 : memref<!tpu.dma_semaphore, #tpu.memory_space<semaphore_mem>>) src(%dma_wait3A_91 : memref<4x4096xf32, #tpu.memory_space<hbm>>) dst(%dma_wait3A_89 : memref<4x4096xf32, #tpu.memory_space<vmem>>)
      %ge3A = arith.constant 3 : i32
      %ge3A_92 = arith.cmpi sge, %scan3A_74, %ge3A : i32
      %convert_element_type3A = arith.extui %ge3A_92 : i1 to i32
      %cond3A = arith.constant 0 : i32
      %cond3A_93 = arith.cmpi ne, %convert_element_type3A, %cond3A : i32
      scf.if %cond3A_93 {
        %sub3A = arith.constant 3 : i32
        %sub3A_119 = arith.subi %scan3A_74, %sub3A : i32
        %mul3A_120 = arith.constant 4 : i32
        %mul3A_121 = arith.muli %sub3A_119, %mul3A_120 : i32
        %add3A_122 = arith.addi %mul3A_2, %mul3A_121 : i32
        %dma_wait3A_123 = arith.constant 0 : i32
        %dma_wait3A_124 = arith.constant 0 : i32
        %dma_wait3A_125 = tpu.memref_slice %arg10[%rem3A_75, %dma_wait3A_123, %dma_wait3A_124] : memref<3x4x4096xf32, #tpu.memory_space<vmem>> -> memref<1x4x4096xf32, #tpu.memory_space<vmem>>
        %dma_wait3A_126 = tpu.memref_squeeze %dma_wait3A_125 : memref<1x4x4096xf32, #tpu.memory_space<vmem>> -> memref<4x4096xf32, #tpu.memory_space<vmem>>
        %dma_wait3A_127 = arith.constant 0 : i32
        %dma_wait3A_128 = tpu.memref_slice %arg5[%add3A_122, %dma_wait3A_127] : memref<4096x4096xf32, #tpu.memory_space<hbm>> -> memref<4x4096xf32, #tpu.memory_space<hbm>>
        %dma_wait3A_129 = tpu.memref_slice %arg12[%rem3A_75] : memref<3x!tpu.dma_semaphore, #tpu.memory_space<semaphore_mem>> -> memref<1x!tpu.dma_semaphore, #tpu.memory_space<semaphore_mem>>
        %dma_wait3A_130 = tpu.memref_squeeze %dma_wait3A_129 : memref<1x!tpu.dma_semaphore, #tpu.memory_space<semaphore_mem>> -> memref<!tpu.dma_semaphore, #tpu.memory_space<semaphore_mem>>
        %dma_wait3A_131 = arith.constant 0 : i32
        %dma_wait3A_132 = tpu.memref_slice %arg5[%add3A_122, %dma_wait3A_131] : memref<4096x4096xf32, #tpu.memory_space<hbm>> -> memref<4x4096xf32, #tpu.memory_space<hbm>>
        %dma_wait3A_133 = arith.constant 0 : i32
        %dma_wait3A_134 = arith.constant 0 : i32
        %dma_wait3A_135 = tpu.memref_slice %arg10[%rem3A_75, %dma_wait3A_133, %dma_wait3A_134] : memref<3x4x4096xf32, #tpu.memory_space<vmem>> -> memref<1x4x4096xf32, #tpu.memory_space<vmem>>
        %dma_wait3A_136 = tpu.memref_squeeze %dma_wait3A_135 : memref<1x4x4096xf32, #tpu.memory_space<vmem>> -> memref<4x4096xf32, #tpu.memory_space<vmem>>
        tpu.wait_dma2 semaphore(%dma_wait3A_130 : memref<!tpu.dma_semaphore, #tpu.memory_space<semaphore_mem>>) src(%dma_wait3A_136 : memref<4x4096xf32, #tpu.memory_space<vmem>>) dst(%dma_wait3A_132 : memref<4x4096xf32, #tpu.memory_space<hbm>>)
      } else {
      }
      %parallel_loop3A = arith.constant 0 : i32
      %parallel_loop3A_94 = arith.constant 256 : i32
      %parallel_loop3A_95 = arith.constant 1 : i32
      scf.for %parallel_loop3A_119 = %parallel_loop3A to %parallel_loop3A_94 step %parallel_loop3A_95  : i32 {
        %parallel_loop3A_120 = arith.constant 16 : i32
        %parallel_loop3A_121 = arith.muli %parallel_loop3A_119, %parallel_loop3A_120 : i32
        %parallel_loop3A_122 = arith.index_cast %parallel_loop3A_121 : i32 to index
        %parallel_loop3A_123 = tpu.vector_load %arg7[%parallel_loop3A_122] {strides = array<i32>} : memref<4096xf32, #tpu.memory_space<vmem>>, vector<16xf32>,
        %parallel_loop3A_124 = arith.constant 0 : i32
        %parallel_loop3A_125 = arith.index_cast %rem3A_75 : i32 to index
        %parallel_loop3A_126 = arith.index_cast %parallel_loop3A_124 : i32 to index
        %parallel_loop3A_127 = arith.index_cast %parallel_loop3A_121 : i32 to index
        %parallel_loop3A_128 = tpu.vector_load %arg9[%parallel_loop3A_125, %parallel_loop3A_126, %parallel_loop3A_127] {strides = array<i32>} : memref<3x4x4096xf32, #tpu.memory_space<vmem>>, vector<16xf32>,
        %parallel_loop3A_129 = arith.addf %parallel_loop3A_128, %parallel_loop3A_123 : vector<16xf32>
        %parallel_loop3A_130 = arith.constant 0 : i32
        %parallel_loop3A_131 = arith.index_cast %rem3A_75 : i32 to index
        %parallel_loop3A_132 = arith.index_cast %parallel_loop3A_130 : i32 to index
        %parallel_loop3A_133 = arith.index_cast %parallel_loop3A_121 : i32 to index
        %parallel_loop3A_134 = tpu.vector_load %arg10[%parallel_loop3A_131, %parallel_loop3A_132, %parallel_loop3A_133] {strides = array<i32>} : memref<3x4x4096xf32, #tpu.memory_space<vmem>>, vector<16xf32>,
        tpu.vector_store %arg10[%parallel_loop3A_131, %parallel_loop3A_132, %parallel_loop3A_133], %parallel_loop3A_129 {strides = array<i32>} : memref<3x4x4096xf32, #tpu.memory_space<vmem>>, vector<16xf32>,
        %parallel_loop3A_135 = arith.constant 1 : i32
        %parallel_loop3A_136 = arith.index_cast %rem3A_75 : i32 to index
        %parallel_loop3A_137 = arith.index_cast %parallel_loop3A_135 : i32 to index
        %parallel_loop3A_138 = arith.index_cast %parallel_loop3A_121 : i32 to index
        %parallel_loop3A_139 = tpu.vector_load %arg9[%parallel_loop3A_136, %parallel_loop3A_137, %parallel_loop3A_138] {strides = array<i32>} : memref<3x4x4096xf32, #tpu.memory_space<vmem>>, vector<16xf32>,
        %parallel_loop3A_140 = arith.addf %parallel_loop3A_139, %parallel_loop3A_123 : vector<16xf32>
        %parallel_loop3A_141 = arith.constant 1 : i32
        %parallel_loop3A_142 = arith.index_cast %rem3A_75 : i32 to index
        %parallel_loop3A_143 = arith.index_cast %parallel_loop3A_141 : i32 to index
        %parallel_loop3A_144 = arith.index_cast %parallel_loop3A_121 : i32 to index
        %parallel_loop3A_145 = tpu.vector_load %arg10[%parallel_loop3A_142, %parallel_loop3A_143, %parallel_loop3A_144] {strides = array<i32>} : memref<3x4x4096xf32, #tpu.memory_space<vmem>>, vector<16xf32>,
        tpu.vector_store %arg10[%parallel_loop3A_142, %parallel_loop3A_143, %parallel_loop3A_144], %parallel_loop3A_140 {strides = array<i32>} : memref<3x4x4096xf32, #tpu.memory_space<vmem>>, vector<16xf32>,
        %parallel_loop3A_146 = arith.constant 2 : i32
        %parallel_loop3A_147 = arith.index_cast %rem3A_75 : i32 to index
        %parallel_loop3A_148 = arith.index_cast %parallel_loop3A_146 : i32 to index
        %parallel_loop3A_149 = arith.index_cast %parallel_loop3A_121 : i32 to index
        %parallel_loop3A_150 = tpu.vector_load %arg9[%parallel_loop3A_147, %parallel_loop3A_148, %parallel_loop3A_149] {strides = array<i32>} : memref<3x4x4096xf32, #tpu.memory_space<vmem>>, vector<16xf32>,
        %parallel_loop3A_151 = arith.addf %parallel_loop3A_150, %parallel_loop3A_123 : vector<16xf32>
        %parallel_loop3A_152 = arith.constant 2 : i32
        %parallel_loop3A_153 = arith.index_cast %rem3A_75 : i32 to index
        %parallel_loop3A_154 = arith.index_cast %parallel_loop3A_152 : i32 to index
        %parallel_loop3A_155 = arith.index_cast %parallel_loop3A_121 : i32 to index
        %parallel_loop3A_156 = tpu.vector_load %arg10[%parallel_loop3A_153, %parallel_loop3A_154, %parallel_loop3A_155] {strides = array<i32>} : memref<3x4x4096xf32, #tpu.memory_space<vmem>>, vector<16xf32>,
        tpu.vector_store %arg10[%parallel_loop3A_153, %parallel_loop3A_154, %parallel_loop3A_155], %parallel_loop3A_151 {strides = array<i32>} : memref<3x4x4096xf32, #tpu.memory_space<vmem>>, vector<16xf32>,
        %parallel_loop3A_157 = arith.constant 3 : i32
        %parallel_loop3A_158 = arith.index_cast %rem3A_75 : i32 to index
        %parallel_loop3A_159 = arith.index_cast %parallel_loop3A_157 : i32 to index
        %parallel_loop3A_160 = arith.index_cast %parallel_loop3A_121 : i32 to index
        %parallel_loop3A_161 = tpu.vector_load %arg9[%parallel_loop3A_158, %parallel_loop3A_159, %parallel_loop3A_160] {strides = array<i32>} : memref<3x4x4096xf32, #tpu.memory_space<vmem>>, vector<16xf32>,
        %parallel_loop3A_162 = arith.addf %parallel_loop3A_161, %parallel_loop3A_123 : vector<16xf32>
        %parallel_loop3A_163 = arith.constant 3 : i32
        %parallel_loop3A_164 = arith.index_cast %rem3A_75 : i32 to index
        %parallel_loop3A_165 = arith.index_cast %parallel_loop3A_163 : i32 to index
        %parallel_loop3A_166 = arith.index_cast %parallel_loop3A_121 : i32 to index
        %parallel_loop3A_167 = tpu.vector_load %arg10[%parallel_loop3A_164, %parallel_loop3A_165, %parallel_loop3A_166] {strides = array<i32>} : memref<3x4x4096xf32, #tpu.memory_space<vmem>>, vector<16xf32>,
        tpu.vector_store %arg10[%parallel_loop3A_164, %parallel_loop3A_165, %parallel_loop3A_166], %parallel_loop3A_162 {strides = array<i32>} : memref<3x4x4096xf32, #tpu.memory_space<vmem>>, vector<16xf32>,
      } {sc.loop_unroll_factor = 2 : i64, sc.parallel_access}
      %mul3A_96 = arith.constant 4 : i32
      %mul3A_97 = arith.muli %scan3A_74, %mul3A_96 : i32
      %add3A_98 = arith.addi %mul3A_2, %mul3A_97 : i32
      %dma_start3A_99 = arith.constant 0 : i32
      %dma_start3A_100 = arith.constant 0 : i32
      %dma_start3A_101 = tpu.memref_slice %arg10[%rem3A_75, %dma_start3A_99, %dma_start3A_100] : memref<3x4x4096xf32, #tpu.memory_space<vmem>> -> memref<1x4x4096xf32, #tpu.memory_space<vmem>>
      %dma_start3A_102 = tpu.memref_squeeze %dma_start3A_101 : memref<1x4x4096xf32, #tpu.memory_space<vmem>> -> memref<4x4096xf32, #tpu.memory_space<vmem>>
      %dma_start3A_103 = arith.constant 0 : i32
      %dma_start3A_104 = tpu.memref_slice %arg5[%add3A_98, %dma_start3A_103] : memref<4096x4096xf32, #tpu.memory_space<hbm>> -> memref<4x4096xf32, #tpu.memory_space<hbm>>
      %dma_start3A_105 = tpu.memref_slice %arg12[%rem3A_75] : memref<3x!tpu.dma_semaphore, #tpu.memory_space<semaphore_mem>> -> memref<1x!tpu.dma_semaphore, #tpu.memory_space<semaphore_mem>>
      %dma_start3A_106 = tpu.memref_squeeze %dma_start3A_105 : memref<1x!tpu.dma_semaphore, #tpu.memory_space<semaphore_mem>> -> memref<!tpu.dma_semaphore, #tpu.memory_space<semaphore_mem>>
      %dma_start3A_107 = arith.constant 0 : i32
      %dma_start3A_108 = tpu.memref_slice %arg5[%add3A_98, %dma_start3A_107] : memref<4096x4096xf32, #tpu.memory_space<hbm>> -> memref<4x4096xf32, #tpu.memory_space<hbm>>
      %dma_start3A_109 = arith.constant 0 : i32
      %dma_start3A_110 = arith.constant 0 : i32
      %dma_start3A_111 = tpu.memref_slice %arg10[%rem3A_75, %dma_start3A_109, %dma_start3A_110] : memref<3x4x4096xf32, #tpu.memory_space<vmem>> -> memref<1x4x4096xf32, #tpu.memory_space<vmem>>
      %dma_start3A_112 = tpu.memref_squeeze %dma_start3A_111 : memref<1x4x4096xf32, #tpu.memory_space<vmem>> -> memref<4x4096xf32, #tpu.memory_space<vmem>>
      tpu.enqueue_dma source(%dma_start3A_112 : memref<4x4096xf32, #tpu.memory_space<vmem>>) target(%dma_start3A_108 : memref<4x4096xf32, #tpu.memory_space<hbm>>) target_semaphore(%dma_start3A_106 : memref<!tpu.dma_semaphore, #tpu.memory_space<semaphore_mem>>)
      %add3A_113 = arith.constant 3 : i32
      %add3A_114 = arith.addi %scan3A_74, %add3A_113 : i32
      %lt3A = arith.constant 32 : i32
      %lt3A_115 = arith.cmpi slt, %add3A_114, %lt3A : i32
      %convert_element_type3A_116 = arith.extui %lt3A_115 : i1 to i32
      %cond3A_117 = arith.constant 0 : i32
      %cond3A_118 = arith.cmpi ne, %convert_element_type3A_116, %cond3A_117 : i32
      scf.if %cond3A_118 {
        %add3A_119 = arith.constant 3 : i32
        %add3A_120 = arith.addi %scan3A_74, %add3A_119 : i32
        %mul3A_121 = arith.constant 4 : i32
        %mul3A_122 = arith.muli %add3A_120, %mul3A_121 : i32
        %add3A_123 = arith.addi %mul3A_2, %mul3A_122 : i32
        %dma_start3A_124 = arith.constant 0 : i32
        %dma_start3A_125 = arith.constant 0 : i32
        %dma_start3A_126 = tpu.memref_slice %arg9[%rem3A_75, %dma_start3A_124, %dma_start3A_125] : memref<3x4x4096xf32, #tpu.memory_space<vmem>> -> memref<1x4x4096xf32, #tpu.memory_space<vmem>>
        %dma_start3A_127 = tpu.memref_squeeze %dma_start3A_126 : memref<1x4x4096xf32, #tpu.memory_space<vmem>> -> memref<4x4096xf32, #tpu.memory_space<vmem>>
        %dma_start3A_128 = arith.constant 0 : i32
        %dma_start3A_129 = tpu.memref_slice %arg2[%add3A_123, %dma_start3A_128] : memref<4096x4096xf32, #tpu.memory_space<hbm>> -> memref<4x4096xf32, #tpu.memory_space<hbm>>
        %dma_start3A_130 = tpu.memref_slice %arg11[%rem3A_75] : memref<3x!tpu.dma_semaphore, #tpu.memory_space<semaphore_mem>> -> memref<1x!tpu.dma_semaphore, #tpu.memory_space<semaphore_mem>>
        %dma_start3A_131 = tpu.memref_squeeze %dma_start3A_130 : memref<1x!tpu.dma_semaphore, #tpu.memory_space<semaphore_mem>> -> memref<!tpu.dma_semaphore, #tpu.memory_space<semaphore_mem>>
        %dma_start3A_132 = arith.constant 0 : i32
        %dma_start3A_133 = arith.constant 0 : i32
        %dma_start3A_134 = tpu.memref_slice %arg9[%rem3A_75, %dma_start3A_132, %dma_start3A_133] : memref<3x4x4096xf32, #tpu.memory_space<vmem>> -> memref<1x4x4096xf32, #tpu.memory_space<vmem>>
        %dma_start3A_135 = tpu.memref_squeeze %dma_start3A_134 : memref<1x4x4096xf32, #tpu.memory_space<vmem>> -> memref<4x4096xf32, #tpu.memory_space<vmem>>
        %dma_start3A_136 = arith.constant 0 : i32
        %dma_start3A_137 = tpu.memref_slice %arg2[%add3A_123, %dma_start3A_136] : memref<4096x4096xf32, #tpu.memory_space<hbm>> -> memref<4x4096xf32, #tpu.memory_space<hbm>>
        tpu.enqueue_dma source(%dma_start3A_137 : memref<4x4096xf32, #tpu.memory_space<hbm>>) target(%dma_start3A_135 : memref<4x4096xf32, #tpu.memory_space<vmem>>) target_semaphore(%dma_start3A_131 : memref<!tpu.dma_semaphore, #tpu.memory_space<semaphore_mem>>)
      } else {
      }
    }
    %scan3A_67 = arith.constant 32 : i32
    %scan3A_68 = arith.constant 0 : i32
    %scan3A_69 = arith.constant 29 : i32
    %scan3A_70 = arith.constant 3 : i32
    %scan3A_71 = arith.addi %scan3A_69, %scan3A_70 : i32
    %scan3A_72 = arith.constant 1 : i32
    scf.for %scan3A_74 = %scan3A_69 to %scan3A_71 step %scan3A_72  : i32 {
      %rem3A = arith.constant 3 : i32
      %rem3A_75 = arith.remsi %scan3A_74, %rem3A : i32
      %mul3A_76 = arith.constant 4 : i32
      %mul3A_77 = arith.muli %scan3A_74, %mul3A_76 : i32
      %add3A_78 = arith.addi %mul3A_2, %mul3A_77 : i32
      %dma_wait3A = arith.constant 0 : i32
      %dma_wait3A_79 = arith.constant 0 : i32
      %dma_wait3A_80 = tpu.memref_slice %arg10[%rem3A_75, %dma_wait3A, %dma_wait3A_79] : memref<3x4x4096xf32, #tpu.memory_space<vmem>> -> memref<1x4x4096xf32, #tpu.memory_space<vmem>>
      %dma_wait3A_81 = tpu.memref_squeeze %dma_wait3A_80 : memref<1x4x4096xf32, #tpu.memory_space<vmem>> -> memref<4x4096xf32, #tpu.memory_space<vmem>>
      %dma_wait3A_82 = arith.constant 0 : i32
      %dma_wait3A_83 = tpu.memref_slice %arg5[%add3A_78, %dma_wait3A_82] : memref<4096x4096xf32, #tpu.memory_space<hbm>> -> memref<4x4096xf32, #tpu.memory_space<hbm>>
      %dma_wait3A_84 = tpu.memref_slice %arg12[%rem3A_75] : memref<3x!tpu.dma_semaphore, #tpu.memory_space<semaphore_mem>> -> memref<1x!tpu.dma_semaphore, #tpu.memory_space<semaphore_mem>>
      %dma_wait3A_85 = tpu.memref_squeeze %dma_wait3A_84 : memref<1x!tpu.dma_semaphore, #tpu.memory_space<semaphore_mem>> -> memref<!tpu.dma_semaphore, #tpu.memory_space<semaphore_mem>>
      %dma_wait3A_86 = arith.constant 0 : i32
      %dma_wait3A_87 = tpu.memref_slice %arg5[%add3A_78, %dma_wait3A_86] : memref<4096x4096xf32, #tpu.memory_space<hbm>> -> memref<4x4096xf32, #tpu.memory_space<hbm>>
      %dma_wait3A_88 = arith.constant 0 : i32
      %dma_wait3A_89 = arith.constant 0 : i32
      %dma_wait3A_90 = tpu.memref_slice %arg10[%rem3A_75, %dma_wait3A_88, %dma_wait3A_89] : memref<3x4x4096xf32, #tpu.memory_space<vmem>> -> memref<1x4x4096xf32, #tpu.memory_space<vmem>>
      %dma_wait3A_91 = tpu.memref_squeeze %dma_wait3A_90 : memref<1x4x4096xf32, #tpu.memory_space<vmem>> -> memref<4x4096xf32, #tpu.memory_space<vmem>>
      tpu.wait_dma2 semaphore(%dma_wait3A_85 : memref<!tpu.dma_semaphore, #tpu.memory_space<semaphore_mem>>) src(%dma_wait3A_91 : memref<4x4096xf32, #tpu.memory_space<vmem>>) dst(%dma_wait3A_87 : memref<4x4096xf32, #tpu.memory_space<hbm>>)
    }
    %scan3A_73 = arith.constant 3 : i32
    return
  }
}

</mosaic_0001>

<sc_bundles>
// kernel: kernel.3.cloned.1.call-start
scs
__scs_entry_jumppad:
0x0: {  	(pc) =	sbr.rel $0x88, $3  }
0x1: {  	(tag) =	ssettag $0x0;
	lr =	simm.s32 $0x1  }
0x2: {  	[smem:$0x3F9D] =	sst lr;
	_ =	strace $0xD0000000  }
0x3: {  	_ = 	snop  }
0x4: {  	_ = 	snop  }
0x5: {  	_ = 	snop  }
0x6: {  	_ = 	snop  }
0x7: {  	_ = 	snop  }
__scs_overlays_trampoline_lowered:
0x8: {  	[smem:$0x3FAC] =	sst s0  }
0x9: {  	[smem:$0x3FAD] =	sst s1  }
0xa: {  	[smem:$0x3FAE] =	sst s2  }
0xb: {  	[smem:$0x3FAF] =	sst s3  }
0xc: {  	[smem:$0x3FB0] =	sst s4  }
0xd: {  	[smem:$0x3FB1] =	sst s5  }
0xe: {  	[smem:$0x3FB2] =	sst s6  }
0xf: {  	[smem:$0x3FB3] =	sst s7  }
0x10: {  	[smem:$0x3FB4] =	sst s8  }
0x11: {  	[smem:$0x3FB5] =	sst s9;
	s0 =	simm.s32 @!p0 $0x0  }
0x12: {  	s1 =	sld [smem:$0x3F9B];
	s0 =	simm.s32 @p0 $0x1  }
0x13: {  	[smem:$0x3FB6] =	sst s0;
	s0 =	simm.s32 @!p1 $0x0  }
0x14: {  	s2 =	sld [smem:$0x3F9A];
	s0 =	simm.s32 @p1 $0x1  }
0x15: {  	[smem:$0x3FB7] =	sst s0;
	s0 =	simm.s32 @!p2 $0x0  }
0x16: {  	s3 =	sld [smem:$0x3FDB];
	s0 =	simm.s32 @p2 $0x1  }
0x17: {  	s4 =	simm.s32 $0x1BF5;
	[smem:$0x3FB9] =	sst s0  }
0x18: {  	s0 =	sld [smem:$0x3F9C];
	_ =	swait.ge [sflag:s4], $0x0  }
0x19: {  	s7 =	sld [smem:$0x3F9D]  }
0x1a: {  	s8 =	sadd.s32 $0xFFFFE003, lr  }
0x1b: {  	s9 =	sadd.s32 $0xFFFFFEF7, lr;
	s5 =	simm.s32 $0xFFFFFFFF;
	p2 =	slt.u32 s8, $0xFFFFF086  }
0x1c: {  	p1 =	slt.u32 s9, $0xF7A;
	s5 =	simm.s32 @!p2 $0x0  }
0x1d: {  	s5 =	simm.s32 @p1 $0x1;
	p0 =	seq.s32 s7, s2  }
0x1e: {  	s7 =	smul.u32 @!p0 $0xF7A, s2;
	p2 =	seq.s32 @!p0 s5, $0x0  }
0x1f: {  	s9 =	smul.u32 $0xF7A, s1;
	s8 =	simm.s32 @!p0 $0x1BF5;
	p2 =	por !p2, p0  }
0x20: {  	[sflag:s8] =	ssyncset.s32 @!p0 $0xFFFFF086;
	s6 =	sadd.s32 @!p0 s3, s7;
	s7 =	simm.s32 @!p0 $0x108  }
0x21: {  	s3 =	sadd.s32 s3, s9;
	s6 =	sadd.s32 @!p0 $0x88, s6;
	s7 =	simm.s32 @p2 $0x1082  }
0x22: {  	[simem:s7], [sflag:s8] =	dma.local @!p0 [hbm:s6], $0xF7A  }
0x23: {  	s9 =	sor.u32 $0xD0000000, s2;
	s6 =	simm.s32 $0x108;
	_ =	swait.ge @!p0 [sflag:s8], $0x0  }
0x24: {  	s3 =	sadd.s32 $0x88, s3;
	s6 =	simm.s32 @!p1 $0x1082;
	[sflag:s4] =	ssyncset.s32 $0xFFFFF086  }
0x25: {  	[simem:s6], [sflag:s4] =	dma.local [hbm:s3], $0xF7A  }
0x26: {  	[smem:$0x3F9D] =	sst s1;
	(tag) =	ssettag s2;
	_ =	strace s9  }
0x27: {  	s1 =	sld [smem:$0x3FAD]  }
0x28: {  	s2 =	sld [smem:$0x3FAE]  }
0x29: {  	s4 =	sld [smem:$0x3FB0]  }
0x2a: {  	p0 =	seq.s32 s5, $0x0;
	s5 =	sld [smem:$0x3FB1]  }
0x2b: {  	s6 =	sld [smem:$0x3FB2]  }
0x2c: {  	s7 =	sld [smem:$0x3FB3]  }
0x2d: {  	s3 =	simm.s32 $0x108;
	s8 =	sld [smem:$0x3FB4]  }
0x2e: {  	s3 =	simm.s32 @!p0 $0x1082;
	s9 =	sld [smem:$0x3FB5]  }
0x2f: {  	lr =	sadd.s32 s0, s3;
	s0 =	sld [smem:$0x3FAC]  }
0x30: {  	s3 =	sld [smem:$0x3FAF]  }
0x31: {  	[smem:$0x3FB8] =	sst s10  }
0x32: {  	s10 =	sld [smem:$0x3FB6];
	_ =	sdelay $0x3  }
0x33: {  	p0 =	seq.s32 s10, $0x1;
	s10 =	sld [smem:$0x3FB8];
	_ =	sdelay $0x3  }
0x34: {  	[smem:$0x3FB8] =	sst s10  }
0x35: {  	s10 =	sld [smem:$0x3FB7];
	_ =	sdelay $0x3  }
0x36: {  	p1 =	seq.s32 s10, $0x1;
	s10 =	sld [smem:$0x3FB8];
	_ =	sdelay $0x3  }
0x37: {  	[smem:$0x3FB8] =	sst s10  }
0x38: {  	s10 =	sld [smem:$0x3FB9]  }
0x39: {  	_ = 	snop;
	(pc) =	sbr.ind lr, $3  }
0x3a: {  	_ = 	snop  }
0x3b: {  	_ = 	snop  }
0x3c: {  	p2 =	seq.s32 s10, $0x1;
	s10 =	sld [smem:$0x3FB8]  }
0x3d: {  	_ =	shalt  }
0x3e: {  	_ =	shalt  }
0x3f: {  	_ =	shalt  }
0x40: {  	_ =	shalt  }
0x41: {  	_ =	shalt  }
0x42: {  	_ =	shalt  }
0x43: {  	_ =	shalt  }
0x44: {  	_ =	shalt  }
0x45: {  	_ =	shalt  }
0x46: {  	_ =	shalt  }
0x47: {  	_ =	shalt  }
0x48: {  	_ =	shalt  }
0x49: {  	_ =	shalt  }
0x4a: {  	_ =	shalt  }
0x4b: {  	_ =	shalt  }
0x4c: {  	_ =	shalt  }
0x4d: {  	_ =	shalt  }
0x4e: {  	_ =	shalt  }
0x4f: {  	_ =	shalt  }
0x50: {  	_ =	shalt  }
0x51: {  	_ =	shalt  }
0x52: {  	_ =	shalt  }
0x53: {  	_ =	shalt  }
0x54: {  	_ =	shalt  }
0x55: {  	_ =	shalt  }
0x56: {  	_ =	shalt  }
0x57: {  	_ =	shalt  }
0x58: {  	_ =	shalt  }
0x59: {  	_ =	shalt  }
0x5a: {  	_ =	shalt  }
0x5b: {  	_ =	shalt  }
0x5c: {  	_ =	shalt  }
0x5d: {  	_ =	shalt  }
0x5e: {  	_ =	shalt  }
0x5f: {  	_ =	shalt  }
0x60: {  	_ =	shalt  }
0x61: {  	_ =	shalt  }
0x62: {  	_ =	shalt  }
0x63: {  	_ =	shalt  }
0x64: {  	_ =	shalt  }
0x65: {  	_ =	shalt  }
0x66: {  	_ =	shalt  }
0x67: {  	_ =	shalt  }
0x68: {  	_ =	shalt  }
0x69: {  	_ =	shalt  }
0x6a: {  	_ =	shalt  }
0x6b: {  	_ =	shalt  }
0x6c: {  	_ =	shalt  }
0x6d: {  	_ =	shalt  }
0x6e: {  	_ =	shalt  }
0x6f: {  	_ =	shalt  }
0x70: {  	_ =	shalt  }
0x71: {  	_ =	shalt  }
0x72: {  	_ =	shalt  }
0x73: {  	_ =	shalt  }
0x74: {  	_ =	shalt  }
0x75: {  	_ =	shalt  }
0x76: {  	_ =	shalt  }
0x77: {  	_ =	shalt  }
0x78: {  	_ =	shalt  }
0x79: {  	_ =	shalt  }
0x7a: {  	_ =	shalt  }
0x7b: {  	_ =	shalt  }
0x7c: {  	_ =	shalt  }
0x7d: {  	_ =	shalt  }
0x7e: {  	_ =	shalt  }
0x7f: {  	_ =	shalt  }
0x80: {  	_ =	shalt  }
0x81: {  	_ =	shalt  }
0x82: {  	_ =	shalt  }
0x83: {  	_ =	shalt  }
0x84: {  	_ =	shalt  }
0x85: {  	_ =	shalt  }
0x86: {  	_ =	shalt  }
0x87: {  	_ =	shalt  }
.Lfunc_end0:
.L_simem_size_0:
called_computation_lowered:
.L_overlay_start_0:
0x88: {  	s2 =	sld [smem:$0x3FD9]  }
0x89: {  	s3 =	sld [smem:$0x3FFE];
	_ =	sdelay $0x1  }
0x8a: {  	s1 =	srdreg.scid  }
0x8b: {  	s0 =	sand.u32 $0x1, s1  }
0x8c: {  	s17 =	sshll.u32 s0, $0xA;
	s2 =	sadd.s32 s3, s2  }
0x8d: {  	s2 =	sadd.s32 s2, s17  }
0x8e: {  	[smem:$0x3FC4] =	sst s2  }
0x8f: {  	_ = 	snop  }
0x90: {  	s2 =	sld [smem:$0x3FC9]  }
0x91: {  	s18 =	sld [smem:$0x3FC6]  }
0x92: {  	s4 =	sld [smem:$0x3FD0];
	(tm) =	ssettm $0x1  }
0x93: {  	s5 =	sld [smem:$0x3FFB];
	_ =	sdelay $0x3  }
0x94: {  	_ =	strace s5  }
0x95: {  	s5 =	sld [smem:$0x3FFC];
	_ =	sdelay $0x3  }
0x96: {  	_ =	strace s5  }
0x97: {  	s5 =	sld [smem:$0x3FFD];
	_ =	sdelay $0x3  }
0x98: {  	_ =	strace s5  }
0x99: {  	_ =	strace $0x8FFFFFFF  }
0x9a: {  	s19 =	sld [smem:$0x3FDB];
	_ =	sdelay $0x1  }
0x9b: {  	s6 =	simm.s32 $_scs_section_size  }
0x9c: {  	s7 =	simm.s32 $_size__tile_overlayer_lowered;
	s8 =	simm.s32 $_tile_overlayer_lowered  }
0x9d: {  	s22 =	simm.s32 $0x1BFF;
	s21 =	sshll.u32 s8, $0x1;
	s5 =	sadd.s32 s6, s19  }
0x9e: {  	s9 =	simm.s32 $0x0;
	s20 =	sshll.u32 s7, $0x1;
	s7 =	sadd.s32 s21, s5  }
0x9f: {  	[timem:s9], [sflag:s22] =	dma.local [hbm:s7], s20  }
0xa0: {  	_ =	swait.ge [sflag:s22], s20  }
0xa1: {  	s6 =	ssub.s32 $0x0, s20;
	[sflag:s22] =	ssyncset.done $0x0  }
0xa2: {  	[sflag:s22] =	ssyncadd.s32 s6;
	_ =	sdelay $0x1  }
0xa3: {  	s23 =	simm.s32 $0x1B8B  }
0xa4: {  	_ =	swait.ge [sflag:s23], $0x1  }
0xa5: {  	[sflag:s23] =	ssyncset.done $0x0  }
0xa6: {  	s25 =	simm.s32 $0x1B8E;
	s24 =	sld [smem:$0x3FFE];
	[sflag:s23] =	ssyncadd.s32 $0xFFFFFFFF  }
0xa7: {  	s26 =	simm.s32 $execute0_lowered;
	[smem:$0x3FD2] =	sst s25  }
0xa8: {  	s7 =	sshll.u32 s26, $0x1;
	_ =	strace $0x80000046;
	[dreg:$0x1] =	wrdreg $0xFFFFFFFF  }
0xa9: {  	s28 =	simm.s32 $_size_execute0_lowered;
	s5 =	sadd.s32 s5, s7;
	[dreg:$0x0] =	wrdreg $0x0  }
0xaa: {  	s7 =	sshll.u32 s28, $0x1;
	[dreg:$0x2] =	wrdreg s5  }
0xab: {  	[dreg:$0x3] =	wrdreg s7  }
0xac: {  	[dreg:$0x4] =	wrdreg $0xC0  }
0xad: {  	_ =	task [dreg:s9], $0x5FFFF  }
0xae: {  	[dreg:$0x1] =	wrdreg $0xFFFFFFFF  }
0xaf: {  	[dreg:$0x0] =	wrdreg $0x60  }
0xb0: {  	[dreg:$0x2] =	wrdreg s2  }
0xb1: {  	[dreg:$0x3] =	wrdreg s24  }
0xb2: {  	[dreg:$0x4] =	wrdreg s18  }
0xb3: {  	[dreg:$0x5] =	wrdreg s4  }
0xb4: {  	[dreg:$0x6] =	wrdreg $0x9  }
0xb5: {  	_ =	task.clear_ibuf [dreg:s9], $0x7FFFF;
	_ =	strace $0x90000046  }
0xb6: {  	s29 =	simm.s32 $0x9;
	_ =	strace $0x80000048  }
0xb7: {  	_ =	swait.ge [sflag:s29], $0x1  }
0xb8: {  	[sflag:s29] =	ssyncadd.s32 $0xFFFFFFFF  }
0xb9: {  	_ =	strace $0x90000048  }
0xba: {  	_ =	sfence  }
0xbb: {  	s30 =	sld [smem:$0x0];
	_ =	sdelay $0x2  }
0xbc: {  	s31 =	sshll.u32 s1, $0xD;
	s1 =	sshrl.u32 s1, $0x2  }
0xbd: {  	s3 =	sand.u32 $0x4000, s31;
	s1 =	sadd.s32 s1, s30  }
0xbe: {  	s0 =	sor.u32 s3, s0;
	s1 =	sshll.u32 s1, $0x11  }
0xbf: {  	s0 =	sor.u32 s1, s0  }
0xc0: {  	s0 =	sadd.s32 $0x8F2B, s0  }
0xc1: {  	[sflag:s0] =	ssyncadd.remote.s32 $0x1  }
0xc2: {  	_ =	sfence.sel $0xFFFF  }
0xc3: {  	[dreg:$0x0] =	wrdreg $0xFFFFFFFF;
	(pc) =	sbr.abs _section_cstart, $3  }
0xc4: {  	[dreg:$0x1] =	wrdreg $0xFFFFFFFF  }
0xc5: {  	_ =	task.clear_ibuf [dreg:s9], $0x2FFFF;
	_ =	strace $0x9FFFFFFF  }
0xc6: {  	(tm) =	ssettm $0x7FFFFFFF  }
0xc7: {  	_ =	shalt  }
tec
execute0_lowered:
.L_overlay_start_1:
0x0: {  	(tag) =	ssettag $0x1  }
0x1: {  	s1 =	rddreg [dreg:$0x0]  }
0x2: {  	s0 =	rddreg [dreg:$0x1]  }
0x3: {  	s2 =	rddreg [dreg:$0x3];
	s4 =	simm.s32 $0x0;
	s3 =	srdreg.scid  }
0x4: {  	s5 =	stileid.u32;
	s12 =	simm.s32 $0x200;
	s13 =	simm.s32 $0x400  }
0x5: {  	s17 =	simm.s32 $0x7;
	s19 =	simm.s32 $0x6;
	s20 =	simm.s32 $0x4  }
0x6: {  	s21 =	simm.s32 $0x5;
	s22 =	simm.s32 $0x0;
	s3 =	sand.u32 $0x1, s3  }
0x7: {  	s5 =	sshll.u32 s5, $0x11;
	s7 =	ssub.s32 $0x2, s3;
	s3 =	sshll.u32 s3, $0x10  }
0x8: {  	[smem:$0x7FF] =	sst s4;
	s8 =	sshrl.u32 s7, $0x1;
	s5 =	sor.u32 s3, s5  }
0x9: {  	s0 =	sadd.s32 $0x400, s0;
	s29 =	ssub.s32 s7, s8;
	s7 =	sadd.s32 s1, s5  }
0xa: {  	_ =	strace $0x80000047;
	[dreg:$0x5] =	wrdreg s0;
	s30 =	sadd.s32 $0x40, s7  }
0xb: {  	s23 =	simm.s32 $0x0;
	s31 =	sadd.s32 $0x1000, s7;
	[dreg:$0x6] =	wrdreg s30  }
0xc: {  	v0 =	vlaneseq.u32;
	s10 =	sadd.s32 s2, s5;
	s11 =	smax.u32 s29, $0x1;
	[dreg:$0x7] =	wrdreg s31  }
.LBB2_1:
0xd: {  	s0 =	simm.s32 $0x2080  }
0xe: {  	[tilespmem:s0], [sflag:$0x1] =	stream.strided.gather [hbm4b:s7+s12], $0x4000, s13, s12, $0x38;
	[tilespmem:$0x1A080] =	vst v63  }
0xf: {  	s18 =	rddreg [dreg:$0x6];
	s2 =	simm.s32 $0x6080  }
0x10: {  	[tilespmem:s2], [sflag:$0x2] =	stream.strided.gather [hbm4b:s18+s12], $0x4000, s13, s12, $0x38;
	[tilespmem:$0x1A080] =	vst v63  }
0x11: {  	s24 =	rddreg [dreg:$0x7];
	s25 =	simm.s32 $0xA080  }
0x12: {  	[tilespmem:s25], [sflag:$0x3] =	stream.strided.gather [hbm4b:s24+s12], $0x4000, s13, s12, $0x38;
	[tilespmem:$0x1A080] =	vst v63  }
0x13: {  	s26 =	rddreg [dreg:$0x2]  }
0x14: {  	[tilespmem:s4], [sflag:$0x7] =	stream.linear.gather [hbm4b:s26+s4], $0x1000, $0x38;
	[tilespmem:$0x1A080] =	vst v63  }
0x15: {  	_ =	swait.ge [sflag:s17], $0x1000  }
0x16: {  	[sflag:s17] =	ssyncset.done $0x0  }
0x17: {  	s29 =	simm.s32 $0x2000;
	s28 =	rddreg [dreg:$0x5];
	[sflag:s17] =	ssyncadd.s32 $0xFFFFF000  }
0x18: {  	[tilespmem:s29], [sflag:$0x7] =	stream.linear.gather [hbm4b:s28+s4], $0x80, $0x38;
	[tilespmem:$0x1A080] =	vst v63  }
0x19: {  	_ =	swait.ge [sflag:s17], $0x80  }
0x1a: {  	[sflag:s17] =	ssyncset.done $0x0  }
0x1b: {  	[sflag:s17] =	ssyncadd.s32 $0xFFFFFF80  }
0x1c: {  	v1 =	vld [tilespmem:$0x2000];
	_ =	sdelay $0x4  }
0x1d: {  	v1 =	vadd.s32 v0, v1  }
0x1e: {  	v2 =	vadd.s32 s4, v1  }
0x1f: {  	vm0 =	vgt.s32 v2, $0x0  }
0x20: {  	v2 =	vnsel vm0, $0x0, v2  }
0x21: {  	v2 =	vmin.u32 v2, $0xFFF;
	_ =	sdelay $0x3  }
0x22: {  	s30 =	simm.s32 $0x10  }
0x23: {  	v3 =	vadd.s32 s30, v1;
	v2 =	vld.idx.msk [tilespmem:v2+s4+$0x0], $0xffff  }
0x24: {  	vm15 =	vgt.s32 v3, $0x0  }
0x25: {  	v3 =	vnsel vm15, $0x0, v3  }
0x26: {  	v3 =	vmin.u32 v3, $0xFFF;
	_ =	sdelay $0x1  }
0x27: {  	v2 =	vmul.f32 $1.000000010e-01, v2  }
0x28: {  	s0 =	simm.s32 $0x1000  }
0x29: {  	s31 =	simm.s32 $0x20;
	[tilespmem:s0+$0x0] =	vst v2  }
0x2a: {  	s2 =	simm.s32 $0x30;
	v2 =	vld.idx.msk [tilespmem:v3+s4+$0x0], $0xffff;
	v3 =	vadd.s32 s31, v1  }
.LBB2_2:
0x2b: {  	p0 =	sne.s32 s2, $0xFF0;
	vm0 =	vgt.s32 v3, $0x0  }
0x2c: {  	v3 =	vnsel vm0, $0x0, v3  }
0x2d: {  	v3 =	vmin.u32 v3, $0xFFF;
	_ =	sdelay $0x1  }
.Ltmp0:
0x2e: {  	v2 =	vmul.f32 $1.000000010e-01, v2;
	(pc) =	sbr.rel @p0 .LBB2_2-.Ltmp0, $4  }
0x2f: {  	s0 =	sadd.s32 $0x10, s0  }
0x30: {  	[tilespmem:s0+$0x0] =	vst v2  }
0x31: {  	v2 =	vld.idx.msk [tilespmem:v3+s23+$0x0], $0xffff  }
0x32: {  	v3 =	vadd.s32 s2, v1;
	s2 =	sadd.s32 $0x10, s2  }
0x33: {  	vm0 =	vgt.s32 v3, $0x0  }
0x34: {  	v1 =	vnsel vm0, $0x0, v3  }
0x35: {  	v1 =	vmin.u32 v1, $0xFFF;
	_ =	sdelay $0x1  }
0x36: {  	v2 =	vmul.f32 $1.000000010e-01, v2  }
0x37: {  	s0 =	sadd.s32 $0x10, s0  }
0x38: {  	[tilespmem:s0+$0x0] =	vst v2  }
0x39: {  	v1 =	vld.idx.msk [tilespmem:v1+s23+$0x0], $0xffff;
	_ =	sdelay $0x4  }
0x3a: {  	v1 =	vmul.f32 $1.000000010e-01, v1  }
0x3b: {  	s0 =	sadd.s32 $0x10, s0  }
0x3c: {  	s24 =	simm.s32 $0x0;
	[tilespmem:s0+$0x0] =	vst v1  }
.LBB2_4:
0x3d: {  	s0 =	smul.u32 $0xAB, s24;
	_ =	sdelay $0x1  }
0x3e: {  	s0 =	sshrl.u32 s0, $0x9  }
0x3f: {  	s0 =	sand.u32 $0x7F, s0  }
0x40: {  	s0 =	smul.u32 $0x3, s0;
	_ =	sdelay $0x1  }
0x41: {  	s0 =	ssub.s32 s24, s0  }
0x42: {  	s26 =	sand.u32 $0xFF, s0  }
0x43: {  	s25 =	sadd.s32 $0x1, s26  }
0x44: {  	_ =	swait.ge [sflag:s25], $0x4000  }
0x45: {  	p0 =	slt.u32 s24, $0x3;
	[sflag:s25] =	ssyncset.done $0x0  }
0x46: {  	s2 =	sand.u32 $0x60, s23;
	s0 =	sadd.s32 @!p0 $0x4, s26;
	[sflag:s25] =	ssyncadd.s32 $0xFFFFC000  }
0x47: {  	s3 =	sand.u32 $0xF80, s23;
	s14 =	sand.u32 $0x3E00, s23;
	_ =	swait.ge @!p0 [sflag:s0], $0x4000  }
0x48: {  	s15 =	sor.u32 $0x10, s2;
	s28 =	sshll.u32 s26, $0xE;
	[sflag:s0] =	ssyncset.done @!p0 $0x0  }
0x49: {  	s3 =	sor.u32 s15, s3;
	s18 =	sor.u32 s28, s14;
	[sflag:s0] =	ssyncadd.s32 @!p0 $0xFFFFC000  }
0x4a: {  	s14 =	sor.u32 s15, s18;
	v2 =	vld [tilespmem:s3+$0x1000]  }
0x4b: {  	s29 =	sor.u32 s2, s18;
	v1 =	vld [tilespmem:s14+$0x2200]  }
0x4c: {  	v6 =	vld [tilespmem:s29+$0x2080]  }
0x4d: {  	v7 =	vld [tilespmem:s29+$0x2100]  }
0x4e: {  	v8 =	vld [tilespmem:s29+$0x2180]  }
0x4f: {  	v10 =	vld [tilespmem:s29+$0x2200]  }
0x50: {  	s6 =	simm.s32 $0x20;
	v3 =	vld [tilespmem:s14+$0x2080]  }
0x51: {  	s8 =	simm.s32 $0x0;
	s9 =	sand.u32 $0x60, s6;
	v4 =	vld [tilespmem:s14+$0x2100];
	s3 =	simm.s32 $0x80  }
0x52: {  	s30 =	sor.u32 $0x10, s9;
	s0 =	sand.u32 $0xF80, s6;
	v9 =	vld [tilespmem:s14+$0x2180];
	s16 =	sand.u32 $0x3E00, s3  }
0x53: {  	s0 =	sor.u32 s30, s0;
	v11 =	vld [tilespmem:s8+$0x1000];
	s16 =	sor.u32 s28, s16  }
0x54: {  	v5 =	vadd.f32 v1, v2;
	v1 =	vld [tilespmem:s0+$0x1000];
	s0 =	sor.u32 s30, s16  }
0x55: {  	s31 =	sor.u32 s9, s16;
	v13 =	vadd.f32 v3, v2;
	v12 =	vld [tilespmem:s0+$0x2200]  }
0x56: {  	v14 =	vadd.f32 v4, v2;
	[tilespmem:s14+$0xE200] =	vst v5;
	v5 =	vld [tilespmem:s31+$0x2080]  }
0x57: {  	s18 =	sshll.u32 s24, $0x6;
	v3 =	vld [tilespmem:s31+$0x2100];
	v63 =	vadd.f32 v9, v2;
	[tilespmem:s14+$0xE080] =	vst v13  }
0x58: {  	s15 =	sand.u32 $0x40, s18;
	s16 =	sshll.u32 s24, $0xB;
	v4 =	vld [tilespmem:s31+$0x2180];
	v15 =	vadd.f32 v6, v11;
	[tilespmem:s14+$0xE100] =	vst v14  }
0x59: {  	s30 =	sor.u32 $0x2080, s28;
	v9 =	vadd.f32 v7, v11;
	v2 =	vld [tilespmem:s31+$0x2200];
	v7 =	vadd.f32 v8, v11;
	s2 =	sand.u32 $0xF000, s16;
	s16 =	simm.s32 $0x40;
	[tilespmem:s14+$0xE180] =	vst v63  }
0x5a: {  	v6 =	vadd.f32 v10, v11;
	v8 =	vld [tilespmem:s0+$0x2080];
	s2 =	sor.u32 s15, s2;
	s14 =	simm.s32 $0x2;
	s15 =	simm.s32 $0x20;
	[tilespmem:s29+$0xE080] =	vst v15;
	v10 =	vadd.f32 v12, v1  }
.LBB2_5:
0x5b: {  	s18 =	sand.u32 $0x60, s16;
	s6 =	sand.u32 $0xF80, s16;
	v11 =	vld [tilespmem:s0+$0x2100];
	s3 =	sadd.s32 $0x80, s3;
	[tilespmem:s29+$0xE100] =	vst v9;
	v9 =	vmov v5  }
0x5c: {  	s14 =	sadd.s32 $0x2, s14;
	s8 =	sand.u32 $0x3E00, s3;
	s9 =	sor.u32 $0x10, s18;
	v12 =	vld [tilespmem:s0+$0x2180];
	[tilespmem:s0+$0xE200] =	vst v10;
	v10 =	vmov v3  }
0x5d: {  	p0 =	slt.u32 s14, $0xFE;
	s8 =	sor.u32 s28, s8;
	s6 =	sor.u32 s9, s6;
	v13 =	vld [tilespmem:s15+$0x1000];
	[tilespmem:s29+$0xE180] =	vst v7;
	v7 =	vmov v4  }
0x5e: {  	s15 =	sshra.s32 s3, $0x2;
	s18 =	sor.u32 s18, s8;
	v14 =	vld [tilespmem:s6+$0x1000];
	s6 =	sor.u32 s9, s8;
	[tilespmem:s29+$0xE200] =	vst v6  }
0x5f: {  	s29 =	smov.u32 s31;
	v15 =	vld [tilespmem:s6+$0x2200];
	v4 =	vadd.f32 v8, v1;
	s31 =	smov.u32 s18  }
.Ltmp1:
0x60: {  	v5 =	vld [tilespmem:s31+$0x2080];
	v6 =	vadd.f32 v11, v1;
	(pc) =	sbr.rel @p0 .LBB2_5-.Ltmp1, $4  }
0x61: {  	v3 =	vld [tilespmem:s31+$0x2100];
	[tilespmem:s0+$0xE080] =	vst v4;
	v8 =	vadd.f32 v12, v1  }
0x62: {  	v4 =	vld [tilespmem:s31+$0x2180];
	v11 =	vadd.f32 v9, v13;
	v9 =	vadd.f32 v10, v13;
	[tilespmem:s0+$0xE100] =	vst v6  }
0x63: {  	v7 =	vadd.f32 v7, v13;
	v6 =	vadd.f32 v2, v13;
	v2 =	vld [tilespmem:s31+$0x2200];
	[tilespmem:s0+$0xE180] =	vst v8;
	v1 =	vmov v14;
	s0 =	smov.u32 s6  }
0x64: {  	s16 =	sadd.s32 $0x20, s16;
	v8 =	vld [tilespmem:s0+$0x2080];
	v10 =	vadd.f32 v15, v1;
	[tilespmem:s29+$0xE080] =	vst v11  }
0x65: {  	v11 =	vld [tilespmem:s0+$0x2100]  }
0x66: {  	v12 =	vld [tilespmem:s0+$0x2180]  }
0x67: {  	[tilespmem:s29+$0xE100] =	vst v9;
	v61 =	vld [tilespmem:s15+$0x1000]  }
0x68: {  	[tilespmem:s29+$0xE180] =	vst v7  }
0x69: {  	[tilespmem:s29+$0xE200] =	vst v6;
	v62 =	vadd.f32 v8, v1  }
0x6a: {  	[tilespmem:s0+$0xE200] =	vst v10;
	v63 =	vadd.f32 v11, v1  }
0x6b: {  	v1 =	vadd.f32 v12, v1;
	[tilespmem:s0+$0xE080] =	vst v62  }
0x6c: {  	v5 =	vadd.f32 v5, v61;
	[tilespmem:s0+$0xE100] =	vst v63  }
0x6d: {  	v3 =	vadd.f32 v3, v61;
	[tilespmem:s0+$0xE180] =	vst v1  }
0x6e: {  	v2 =	vadd.f32 v2, v61;
	[tilespmem:s31+$0xE080] =	vst v5  }
0x6f: {  	v1 =	vadd.f32 v4, v61;
	[tilespmem:s31+$0xE100] =	vst v3  }
0x70: {  	s3 =	sadd.s32 $0x4, s26;
	p0 =	sgt.u32 s24, $0x1C;
	[tilespmem:s31+$0xE200] =	vst v2  }
0x71: {  	s2 =	sadd.s32 s2, s10;
	s0 =	sadd.s32 @!p0 $0x3, s24;
	[tilespmem:s31+$0xE180] =	vst v1;
	s31 =	sadd.s32 $0xE080, s28  }
0x72: {  	[hbm4b:s2+s12] =	stream.strided.scatter [tilespmem:s31], [sflag:s3], $0x4000, s13, s12, $0x38;
	[tilespmem:$0x1A080] =	vst v63  }
0x73: {  	s2 =	sshll.u32 @!p0 s0, $0xB;
	s0 =	sshll.u32 @!p0 s0, $0x6  }
0x74: {  	s2 =	sadd.s32 @!p0 s5, s2;
	s0 =	sand.u32 @!p0 $0x40, s0  }
0x75: {  	s24 =	sadd.s32 $0x1, s24;
	s2 =	sand.u32 @!p0 $0x3FF000, s2;
	s0 =	sadd.s32 @!p0 s1, s0  }
0x76: {  	s3 =	simm.s32 @!p0 $0x400;
	s0 =	sadd.s32 @!p0 s2, s0;
	s2 =	simm.s32 @!p0 $0x200  }
0x77: {  	[tilespmem:s30], [sflag:s25] =	stream.strided.gather @!p0 [hbm4b:s0+s2], $0x4000, s3, s2, $0x38;
	[tilespmem:$0x1A080] =	vst v63  }
0x78: {  	p0 =	sne.s32 s24, $0x20  }
.Ltmp2:
0x79: {  	_ = 	snop;
	(pc) =	sbr.rel @p0 .LBB2_4-.Ltmp2, $1  }
0x7a: {  	_ =	sdelay $0x3  }
0x7b: {  	_ =	swait.ge [sflag:s19], $0x4000  }
0x7c: {  	[sflag:s19] =	ssyncset.done $0x0  }
0x7d: {  	s22 =	sadd.s32 $0x1, s22;
	[sflag:s19] =	ssyncadd.s32 $0xFFFFC000  }
0x7e: {  	p0 =	sne.s32 s22, s11;
	_ =	swait.ge [sflag:s20], $0x4000  }
.Ltmp3:
0x7f: {  	[sflag:s20] =	ssyncset.done $0x0;
	(pc) =	sbr.rel @p0 .LBB2_1-.Ltmp3, $4  }
0x80: {  	[sflag:s20] =	ssyncadd.s32 $0xFFFFC000  }
0x81: {  	_ =	swait.ge [sflag:s21], $0x4000  }
0x82: {  	[sflag:s21] =	ssyncset.done $0x0  }
0x83: {  	[sflag:s21] =	ssyncadd.s32 $0xFFFFC000  }
0x84: {  	_ =	sfence.sel $0x180000  }
0x85: {  	[bflag:$0x0] =	sbarrier.arrive $0xFFFF  }
0x86: {  	_ =	strace $0x90000047  }
0x87: {  	s0 =	stileid.u32;
	[bflag:$0x2] =	sbarrier.arrive $0xFFFF  }
0x88: {  	p0 =	sne.s32 s0, $0x0;
	s0 =	rddreg [dreg:$0x4]  }
0x89: {  	s0 =	sadd.s32 @!p0 $0x100000, s0  }
0x8a: {  	[sflag:s0] =	ssyncadd.tile.s32 @!p0 $0x1;
	_ =	shalt  }
.Lfunc_end2:
_tile_overlayer_lowered:
.L_overlay_start_2:
0x8b: {  	(tag) =	ssettag $0x2  }
0x8c: {  	s0 =	rddreg [dreg:$0x0];
	s2 =	stileid.u32  }
0x8d: {  	s1 =	rddreg [dreg:$0x1];
	p0 =	sne.s32 s2, $0x0  }
0x8e: {  	s3 =	rddreg [dreg:$0x2];
	[bflag:$0x3] =	sbarrier.arrive $0xFFFF;
	s2 =	simm.s32 @!p0 $0x1C07  }
0x8f: {  	[timem:s3], [sflag:s2] =	dma.local @!p0 [hbm:s0], s1  }
0x90: {  	s0 =	simm.s32 @!p0 $0x7  }
0x91: {  	_ =	swait.ge @!p0 [sflag:s0], s1  }
0x92: {  	s1 =	ssub.s32 @!p0 $0x0, s1;
	[sflag:s0] =	ssyncset.done @!p0 $0x0  }
0x93: {  	[sflag:s0] =	ssyncadd.s32 @!p0 s1  }
0x94: {  	[bflag:$0x3] =	sbarrier.arrive $0xFFFF  }
0x95: {  	_ =	shalt  }

</sc_bundles>
